<compile_context>
chip_gen: v7x
topology: tpu7x:2x2x1
jax: 0.10.2.dev20260603
libtpu: 0.0.44.dev20260713+nightly
codegen_flags: <defaults>
</compile_context>

<pallas_src>
import functools

import jax
import jax.numpy as jnp
from jax import lax
from jax.experimental import pallas as pl
from jax.experimental.pallas import tpu as pltpu
from jax.experimental.pallas import tpu_sc as plsc

_B = 16384
_D = 64
_NC = 2
_NS = 16
_NW = _NC * _NS
_RPW = _B // _NW
_CHUNK = 128
_NCHUNK = _RPW // _CHUNK


def _body(uidx_hbm, vidx_hbm, utab_hbm, vtab_hbm, params_hbm, out_hbm,
          idx_u, idx_v, rows_u, rows_v, params_v, out_v, sem):
    wid = lax.axis_index("s") * _NC + lax.axis_index("c")
    base = wid * _RPW

    pltpu.sync_copy(params_hbm, params_v)
    pltpu.sync_copy(uidx_hbm.at[pl.ds(base, _RPW)], idx_u)
    pltpu.sync_copy(vidx_hbm.at[pl.ds(base, _RPW)], idx_v)

    copies = []
    for c in range(_NCHUNK):
        sl = pl.ds(c * _CHUNK, _CHUNK)
        copies.append(pltpu.async_copy(
            utab_hbm.at[idx_u.at[sl]], rows_u.at[sl, :], sem))
        copies.append(pltpu.async_copy(
            vtab_hbm.at[idx_v.at[sl]], rows_v.at[sl, :], sem))
    for cp in copies:
        cp.wait()

    bias_u = params_v[pl.ds(2 * 16 * _D, 16)]
    bias_v = params_v[pl.ds(2 * 16 * _D + 16, 16)]
    lanes = lax.iota(jnp.int32, 16)

    def blk_body(blk, _):
        rid = blk * 16 + lanes

        def d_body(d, accs):
            au, av = accs
            col = jnp.broadcast_to(d, (16,))
            gu = plsc.load_gather(rows_u, [rid, col])
            gv = plsc.load_gather(rows_v, [rid, col])
            au = au + gu * params_v[pl.ds(d * 16, 16)]
            av = av + gv * params_v[pl.ds((_D + d) * 16, 16)]
            return (au, av)

        zero = jnp.zeros((16,), jnp.float32)
        au, av = lax.fori_loop(0, _D, d_body, (zero, zero))
        out_v[pl.ds(blk * 16, 16)] = (au + bias_u) * (av + bias_v)
        return 0

    lax.fori_loop(0, _RPW // 16, blk_body, 0)
    pltpu.sync_copy(out_v, out_hbm.at[pl.ds(base, _RPW)])


@jax.jit
def _gmf(uidx, vidx, utab, vtab, params):
    mesh = plsc.VectorSubcoreMesh(
        core_axis_name="c", subcore_axis_name="s",
        num_cores=_NC, num_subcores=_NS)
    f = pl.kernel(
        _body,
        out_type=jax.ShapeDtypeStruct((_B,), jnp.float32),
        mesh=mesh,
        scratch_types=[
            pltpu.VMEM((_RPW,), jnp.int32),
            pltpu.VMEM((_RPW,), jnp.int32),
            pltpu.VMEM((_RPW, _D), jnp.float32),
            pltpu.VMEM((_RPW, _D), jnp.float32),
            pltpu.VMEM((2 * 16 * _D + 32,), jnp.float32),
            pltpu.VMEM((_RPW,), jnp.float32),
            pltpu.SemaphoreType.DMA,
        ],
        compiler_params=pltpu.CompilerParams(
            needs_layout_passes=False, use_tc_tiling_on_sc=False),
    )
    return f(uidx, vidx, utab, vtab, params)


def kernel(user_indices, item_indices, user_table, item_table,
           fc_user_w, fc_user_b, fc_item_w, fc_item_b):
    wtab_u = jnp.broadcast_to(fc_user_w.reshape(_D, 1), (_D, 16)).reshape(-1)
    wtab_v = jnp.broadcast_to(fc_item_w.reshape(_D, 1), (_D, 16)).reshape(-1)
    params = jnp.concatenate([
        wtab_u.astype(jnp.float32),
        wtab_v.astype(jnp.float32),
        jnp.broadcast_to(fc_user_b.reshape(1).astype(jnp.float32), (16,)),
        jnp.broadcast_to(fc_item_b.reshape(1).astype(jnp.float32), (16,)),
    ])
    out = _gmf(user_indices.astype(jnp.int32), item_indices.astype(jnp.int32),
               user_table, item_table, params)
    return out.reshape(_B, 1)

# --- scband reference (transcript-rebuilt; emitter-appended) ---
"""Pipeline reference for scband-gmf-59519656788307 (READ-ONLY COPY).

The authoritative reference and input builder live on the scoring server;
editing this copy changes nothing except your own understanding.
"""

import jax, jax.numpy as jnp
import numpy as np

NUM_USERS = 1000000
NUM_ITEMS = 1000000
EMBED_DIM = 64
BATCH = 16384


def setup_inputs(seed: int = 0) -> dict:
    key = jax.random.key(seed)
    k1, k2, k3, k4, k5, k6, k7, k8 = jax.random.split(key, 8)
    user_indices = jax.random.randint(k1, (BATCH,), 0, NUM_USERS, dtype=jnp.int64 if jax.config.jax_enable_x64 else jnp.int32)
    item_indices = jax.random.randint(k2, (BATCH,), 0, NUM_ITEMS, dtype=jnp.int64 if jax.config.jax_enable_x64 else jnp.int32)
    user_table = jax.random.normal(k3, (NUM_USERS, EMBED_DIM), dtype=jnp.float32)
    item_table = jax.random.normal(k4, (NUM_ITEMS, EMBED_DIM), dtype=jnp.float32)
    # nn.Linear(embedding_dim, 1): weight [1, embed_dim], bias [1]
    bound = 1.0 / np.sqrt(EMBED_DIM)
    fc_user_w = jax.random.uniform(k5, (1, EMBED_DIM), minval=-bound, maxval=bound, dtype=jnp.float32)
    fc_user_b = jax.random.uniform(k6, (1,), minval=-bound, maxval=bound, dtype=jnp.float32)
    fc_item_w = jax.random.uniform(k7, (1, EMBED_DIM), minval=-bound, maxval=bound, dtype=jnp.float32)
    fc_item_b = jax.random.uniform(k8, (1,), minval=-bound, maxval=bound, dtype=jnp.float32)
    return {
        "user_indices": user_indices,
        "item_indices": item_indices,
        "user_table": user_table,
        "item_table": item_table,
        "fc_user_w": fc_user_w,
        "fc_user_b": fc_user_b,
        "fc_item_w": fc_item_w,
        "fc_item_b": fc_item_b,
    }


def reference(user_indices, item_indices, user_table, item_table, fc_user_w, fc_user_b, fc_item_w, fc_item_b):
    user_embedding = jnp.take(user_table, user_indices, axis=0)  # [B, D]
    item_embedding = jnp.take(item_table, item_indices, axis=0)  # [B, D]
    user = user_embedding @ fc_user_w.T + fc_user_b  # [B, 1]
    item = item_embedding @ fc_item_w.T + fc_item_b  # [B, 1]
    output = user * item  # [B, 1]
    return output

if __name__ == "__main__":
    import jax
    _d = setup_inputs()
    print(jax.jit(kernel)(*tuple(_d.values())))

</pallas_src>

<mosaic_0001>
#map = affine_map<(d0, d1) -> (0)>
#map1 = affine_map<(d0, d1) -> (0, 0)>
module attributes {stable_mosaic.version = 14 : i64} {
  func.func @_body(%arg0: i32, %arg1: i32, %arg2: memref<16384xi32, #tpu.memory_space<hbm>>, %arg3: memref<16384xi32, #tpu.memory_space<hbm>>, %arg4: memref<1000000x64xf32, #tpu.memory_space<hbm>>, %arg5: memref<1000000x64xf32, #tpu.memory_space<hbm>>, %arg6: memref<2080xf32, #tpu.memory_space<hbm>>, %arg7: memref<16384xf32, #tpu.memory_space<hbm>>, %arg8: memref<512xi32, #tpu.memory_space<vmem>>, %arg9: memref<512xi32, #tpu.memory_space<vmem>>, %arg10: memref<512x64xf32, #tpu.memory_space<vmem>>, %arg11: memref<512x64xf32, #tpu.memory_space<vmem>>, %arg12: memref<2080xf32, #tpu.memory_space<vmem>>, %arg13: memref<512xf32, #tpu.memory_space<vmem>>, %arg14: memref<!tpu.dma_semaphore, #tpu.memory_space<semaphore_mem>>) attributes {dimension_semantics = [#tpu.dimension_semantics<core_parallel>, #tpu.dimension_semantics<subcore_parallel>], iteration_bounds = array<i64: 2, 16>, scalar_prefetch = 0 : i64, scratch_operands = 7 : i64, tpu.core_type = #tpu.core_type<sc_vector_subcore>, window_params = [{transform_indices = #map}, {transform_indices = #map}, {transform_indices = #map1}, {transform_indices = #map1}, {transform_indices = #map}, {transform_indices = #map}]} {
    %mul3A = arith.constant 2 : i32
    %mul3A_0 = arith.muli %arg1, %mul3A : i32
    %add3A = arith.addi %mul3A_0, %arg0 : i32
    %mul3A_1 = arith.constant 512 : i32
    %mul3A_2 = arith.muli %add3A, %mul3A_1 : i32
    "tpu.region"() ({
      %run_scoped3A = tpu.sem_alloc : memref<!tpu.dma_semaphore, #tpu.memory_space<semaphore_mem>>
      tpu.enqueue_dma source(%arg6 : memref<2080xf32, #tpu.memory_space<hbm>>) target(%arg12 : memref<2080xf32, #tpu.memory_space<vmem>>) target_semaphore(%run_scoped3A : memref<!tpu.dma_semaphore, #tpu.memory_space<semaphore_mem>>)
      tpu.wait_dma2 semaphore(%run_scoped3A : memref<!tpu.dma_semaphore, #tpu.memory_space<semaphore_mem>>) src(%arg6 : memref<2080xf32, #tpu.memory_space<hbm>>) dst(%arg12 : memref<2080xf32, #tpu.memory_space<vmem>>)
      tpu.yield
    }) : () -> ()
    "tpu.region"() ({
      %run_scoped3A = tpu.sem_alloc : memref<!tpu.dma_semaphore, #tpu.memory_space<semaphore_mem>>
      %dma_start3A_138 = tpu.memref_slice %arg2[%mul3A_2] : memref<16384xi32, #tpu.memory_space<hbm>> -> memref<512xi32, #tpu.memory_space<hbm>>
      %dma_start3A_139 = tpu.memref_slice %arg2[%mul3A_2] : memref<16384xi32, #tpu.memory_space<hbm>> -> memref<512xi32, #tpu.memory_space<hbm>>
      tpu.enqueue_dma source(%dma_start3A_139 : memref<512xi32, #tpu.memory_space<hbm>>) target(%arg8 : memref<512xi32, #tpu.memory_space<vmem>>) target_semaphore(%run_scoped3A : memref<!tpu.dma_semaphore, #tpu.memory_space<semaphore_mem>>)
      %dma_wait3A_140 = tpu.memref_slice %arg2[%mul3A_2] : memref<16384xi32, #tpu.memory_space<hbm>> -> memref<512xi32, #tpu.memory_space<hbm>>
      %dma_wait3A_141 = tpu.memref_slice %arg2[%mul3A_2] : memref<16384xi32, #tpu.memory_space<hbm>> -> memref<512xi32, #tpu.memory_space<hbm>>
      tpu.wait_dma2 semaphore(%run_scoped3A : memref<!tpu.dma_semaphore, #tpu.memory_space<semaphore_mem>>) src(%dma_wait3A_141 : memref<512xi32, #tpu.memory_space<hbm>>) dst(%arg8 : memref<512xi32, #tpu.memory_space<vmem>>)
      tpu.yield
    }) : () -> ()
    "tpu.region"() ({
      %run_scoped3A = tpu.sem_alloc : memref<!tpu.dma_semaphore, #tpu.memory_space<semaphore_mem>>
      %dma_start3A_138 = tpu.memref_slice %arg3[%mul3A_2] : memref<16384xi32, #tpu.memory_space<hbm>> -> memref<512xi32, #tpu.memory_space<hbm>>
      %dma_start3A_139 = tpu.memref_slice %arg3[%mul3A_2] : memref<16384xi32, #tpu.memory_space<hbm>> -> memref<512xi32, #tpu.memory_space<hbm>>
      tpu.enqueue_dma source(%dma_start3A_139 : memref<512xi32, #tpu.memory_space<hbm>>) target(%arg9 : memref<512xi32, #tpu.memory_space<vmem>>) target_semaphore(%run_scoped3A : memref<!tpu.dma_semaphore, #tpu.memory_space<semaphore_mem>>)
      %dma_wait3A_140 = tpu.memref_slice %arg3[%mul3A_2] : memref<16384xi32, #tpu.memory_space<hbm>> -> memref<512xi32, #tpu.memory_space<hbm>>
      %dma_wait3A_141 = tpu.memref_slice %arg3[%mul3A_2] : memref<16384xi32, #tpu.memory_space<hbm>> -> memref<512xi32, #tpu.memory_space<hbm>>
      tpu.wait_dma2 semaphore(%run_scoped3A : memref<!tpu.dma_semaphore, #tpu.memory_space<semaphore_mem>>) src(%dma_wait3A_141 : memref<512xi32, #tpu.memory_space<hbm>>) dst(%arg9 : memref<512xi32, #tpu.memory_space<vmem>>)
      tpu.yield
    }) : () -> ()
    %dma_start3A = arith.constant 0 : i32
    %dma_start3A_3 = arith.constant 0 : i32
    %dma_start3A_4 = tpu.memref_slice %arg10[%dma_start3A, %dma_start3A_3] : memref<512x64xf32, #tpu.memory_space<vmem>> -> memref<128x64xf32, #tpu.memory_space<vmem>>
    %dma_start3A_5 = arith.constant 0 : i32
    %dma_start3A_6 = tpu.memref_slice %arg8[%dma_start3A_5] : memref<512xi32, #tpu.memory_space<vmem>> -> memref<128xi32, #tpu.memory_space<vmem>>
    %dma_start3A_7 = arith.constant 0 : i32
    %dma_start3A_8 = arith.constant 0 : i32
    %dma_start3A_9 = tpu.memref_slice %arg4[%dma_start3A_7, %dma_start3A_8] : memref<1000000x64xf32, #tpu.memory_space<hbm>> -> memref<1000000x64xf32, #tpu.memory_space<hbm>>
    tpu.enqueue_indirect_dma source(%dma_start3A_9 : memref<1000000x64xf32, #tpu.memory_space<hbm>>) target(%dma_start3A_4 : memref<128x64xf32, #tpu.memory_space<vmem>>) offsets(%dma_start3A_6 : memref<128xi32, #tpu.memory_space<vmem>>) semaphore(%arg14 : memref<!tpu.dma_semaphore, #tpu.memory_space<semaphore_mem>>)
    %dma_start3A_10 = arith.constant 0 : i32
    %dma_start3A_11 = arith.constant 0 : i32
    %dma_start3A_12 = tpu.memref_slice %arg11[%dma_start3A_10, %dma_start3A_11] : memref<512x64xf32, #tpu.memory_space<vmem>> -> memref<128x64xf32, #tpu.memory_space<vmem>>
    %dma_start3A_13 = arith.constant 0 : i32
    %dma_start3A_14 = tpu.memref_slice %arg9[%dma_start3A_13] : memref<512xi32, #tpu.memory_space<vmem>> -> memref<128xi32, #tpu.memory_space<vmem>>
    %dma_start3A_15 = arith.constant 0 : i32
    %dma_start3A_16 = arith.constant 0 : i32
    %dma_start3A_17 = tpu.memref_slice %arg5[%dma_start3A_15, %dma_start3A_16] : memref<1000000x64xf32, #tpu.memory_space<hbm>> -> memref<1000000x64xf32, #tpu.memory_space<hbm>>
    tpu.enqueue_indirect_dma source(%dma_start3A_17 : memref<1000000x64xf32, #tpu.memory_space<hbm>>) target(%dma_start3A_12 : memref<128x64xf32, #tpu.memory_space<vmem>>) offsets(%dma_start3A_14 : memref<128xi32, #tpu.memory_space<vmem>>) semaphore(%arg14 : memref<!tpu.dma_semaphore, #tpu.memory_space<semaphore_mem>>)
    %dma_start3A_18 = arith.constant 128 : i32
    %dma_start3A_19 = arith.constant 0 : i32
    %dma_start3A_20 = tpu.memref_slice %arg10[%dma_start3A_18, %dma_start3A_19] : memref<512x64xf32, #tpu.memory_space<vmem>> -> memref<128x64xf32, #tpu.memory_space<vmem>>
    %dma_start3A_21 = arith.constant 128 : i32
    %dma_start3A_22 = tpu.memref_slice %arg8[%dma_start3A_21] : memref<512xi32, #tpu.memory_space<vmem>> -> memref<128xi32, #tpu.memory_space<vmem>>
    %dma_start3A_23 = arith.constant 0 : i32
    %dma_start3A_24 = arith.constant 0 : i32
    %dma_start3A_25 = tpu.memref_slice %arg4[%dma_start3A_23, %dma_start3A_24] : memref<1000000x64xf32, #tpu.memory_space<hbm>> -> memref<1000000x64xf32, #tpu.memory_space<hbm>>
    tpu.enqueue_indirect_dma source(%dma_start3A_25 : memref<1000000x64xf32, #tpu.memory_space<hbm>>) target(%dma_start3A_20 : memref<128x64xf32, #tpu.memory_space<vmem>>) offsets(%dma_start3A_22 : memref<128xi32, #tpu.memory_space<vmem>>) semaphore(%arg14 : memref<!tpu.dma_semaphore, #tpu.memory_space<semaphore_mem>>)
    %dma_start3A_26 = arith.constant 128 : i32
    %dma_start3A_27 = arith.constant 0 : i32
    %dma_start3A_28 = tpu.memref_slice %arg11[%dma_start3A_26, %dma_start3A_27] : memref<512x64xf32, #tpu.memory_space<vmem>> -> memref<128x64xf32, #tpu.memory_space<vmem>>
    %dma_start3A_29 = arith.constant 128 : i32
    %dma_start3A_30 = tpu.memref_slice %arg9[%dma_start3A_29] : memref<512xi32, #tpu.memory_space<vmem>> -> memref<128xi32, #tpu.memory_space<vmem>>
    %dma_start3A_31 = arith.constant 0 : i32
    %dma_start3A_32 = arith.constant 0 : i32
    %dma_start3A_33 = tpu.memref_slice %arg5[%dma_start3A_31, %dma_start3A_32] : memref<1000000x64xf32, #tpu.memory_space<hbm>> -> memref<1000000x64xf32, #tpu.memory_space<hbm>>
    tpu.enqueue_indirect_dma source(%dma_start3A_33 : memref<1000000x64xf32, #tpu.memory_space<hbm>>) target(%dma_start3A_28 : memref<128x64xf32, #tpu.memory_space<vmem>>) offsets(%dma_start3A_30 : memref<128xi32, #tpu.memory_space<vmem>>) semaphore(%arg14 : memref<!tpu.dma_semaphore, #tpu.memory_space<semaphore_mem>>)
    %dma_start3A_34 = arith.constant 256 : i32
    %dma_start3A_35 = arith.constant 0 : i32
    %dma_start3A_36 = tpu.memref_slice %arg10[%dma_start3A_34, %dma_start3A_35] : memref<512x64xf32, #tpu.memory_space<vmem>> -> memref<128x64xf32, #tpu.memory_space<vmem>>
    %dma_start3A_37 = arith.constant 256 : i32
    %dma_start3A_38 = tpu.memref_slice %arg8[%dma_start3A_37] : memref<512xi32, #tpu.memory_space<vmem>> -> memref<128xi32, #tpu.memory_space<vmem>>
    %dma_start3A_39 = arith.constant 0 : i32
    %dma_start3A_40 = arith.constant 0 : i32
    %dma_start3A_41 = tpu.memref_slice %arg4[%dma_start3A_39, %dma_start3A_40] : memref<1000000x64xf32, #tpu.memory_space<hbm>> -> memref<1000000x64xf32, #tpu.memory_space<hbm>>
    tpu.enqueue_indirect_dma source(%dma_start3A_41 : memref<1000000x64xf32, #tpu.memory_space<hbm>>) target(%dma_start3A_36 : memref<128x64xf32, #tpu.memory_space<vmem>>) offsets(%dma_start3A_38 : memref<128xi32, #tpu.memory_space<vmem>>) semaphore(%arg14 : memref<!tpu.dma_semaphore, #tpu.memory_space<semaphore_mem>>)
    %dma_start3A_42 = arith.constant 256 : i32
    %dma_start3A_43 = arith.constant 0 : i32
    %dma_start3A_44 = tpu.memref_slice %arg11[%dma_start3A_42, %dma_start3A_43] : memref<512x64xf32, #tpu.memory_space<vmem>> -> memref<128x64xf32, #tpu.memory_space<vmem>>
    %dma_start3A_45 = arith.constant 256 : i32
    %dma_start3A_46 = tpu.memref_slice %arg9[%dma_start3A_45] : memref<512xi32, #tpu.memory_space<vmem>> -> memref<128xi32, #tpu.memory_space<vmem>>
    %dma_start3A_47 = arith.constant 0 : i32
    %dma_start3A_48 = arith.constant 0 : i32
    %dma_start3A_49 = tpu.memref_slice %arg5[%dma_start3A_47, %dma_start3A_48] : memref<1000000x64xf32, #tpu.memory_space<hbm>> -> memref<1000000x64xf32, #tpu.memory_space<hbm>>
    tpu.enqueue_indirect_dma source(%dma_start3A_49 : memref<1000000x64xf32, #tpu.memory_space<hbm>>) target(%dma_start3A_44 : memref<128x64xf32, #tpu.memory_space<vmem>>) offsets(%dma_start3A_46 : memref<128xi32, #tpu.memory_space<vmem>>) semaphore(%arg14 : memref<!tpu.dma_semaphore, #tpu.memory_space<semaphore_mem>>)
    %dma_start3A_50 = arith.constant 384 : i32
    %dma_start3A_51 = arith.constant 0 : i32
    %dma_start3A_52 = tpu.memref_slice %arg10[%dma_start3A_50, %dma_start3A_51] : memref<512x64xf32, #tpu.memory_space<vmem>> -> memref<128x64xf32, #tpu.memory_space<vmem>>
    %dma_start3A_53 = arith.constant 384 : i32
    %dma_start3A_54 = tpu.memref_slice %arg8[%dma_start3A_53] : memref<512xi32, #tpu.memory_space<vmem>> -> memref<128xi32, #tpu.memory_space<vmem>>
    %dma_start3A_55 = arith.constant 0 : i32
    %dma_start3A_56 = arith.constant 0 : i32
    %dma_start3A_57 = tpu.memref_slice %arg4[%dma_start3A_55, %dma_start3A_56] : memref<1000000x64xf32, #tpu.memory_space<hbm>> -> memref<1000000x64xf32, #tpu.memory_space<hbm>>
    tpu.enqueue_indirect_dma source(%dma_start3A_57 : memref<1000000x64xf32, #tpu.memory_space<hbm>>) target(%dma_start3A_52 : memref<128x64xf32, #tpu.memory_space<vmem>>) offsets(%dma_start3A_54 : memref<128xi32, #tpu.memory_space<vmem>>) semaphore(%arg14 : memref<!tpu.dma_semaphore, #tpu.memory_space<semaphore_mem>>)
    %dma_start3A_58 = arith.constant 384 : i32
    %dma_start3A_59 = arith.constant 0 : i32
    %dma_start3A_60 = tpu.memref_slice %arg11[%dma_start3A_58, %dma_start3A_59] : memref<512x64xf32, #tpu.memory_space<vmem>> -> memref<128x64xf32, #tpu.memory_space<vmem>>
    %dma_start3A_61 = arith.constant 384 : i32
    %dma_start3A_62 = tpu.memref_slice %arg9[%dma_start3A_61] : memref<512xi32, #tpu.memory_space<vmem>> -> memref<128xi32, #tpu.memory_space<vmem>>
    %dma_start3A_63 = arith.constant 0 : i32
    %dma_start3A_64 = arith.constant 0 : i32
    %dma_start3A_65 = tpu.memref_slice %arg5[%dma_start3A_63, %dma_start3A_64] : memref<1000000x64xf32, #tpu.memory_space<hbm>> -> memref<1000000x64xf32, #tpu.memory_space<hbm>>
    tpu.enqueue_indirect_dma source(%dma_start3A_65 : memref<1000000x64xf32, #tpu.memory_space<hbm>>) target(%dma_start3A_60 : memref<128x64xf32, #tpu.memory_space<vmem>>) offsets(%dma_start3A_62 : memref<128xi32, #tpu.memory_space<vmem>>) semaphore(%arg14 : memref<!tpu.dma_semaphore, #tpu.memory_space<semaphore_mem>>)
    %dma_wait3A = arith.constant 0 : i32
    %dma_wait3A_66 = arith.constant 0 : i32
    %dma_wait3A_67 = tpu.memref_slice %arg10[%dma_wait3A, %dma_wait3A_66] : memref<512x64xf32, #tpu.memory_space<vmem>> -> memref<128x64xf32, #tpu.memory_space<vmem>>
    %dma_wait3A_68 = arith.constant 0 : i32
    %dma_wait3A_69 = tpu.memref_slice %arg8[%dma_wait3A_68] : memref<512xi32, #tpu.memory_space<vmem>> -> memref<128xi32, #tpu.memory_space<vmem>>
    %dma_wait3A_70 = arith.constant 0 : i32
    %dma_wait3A_71 = arith.constant 0 : i32
    %dma_wait3A_72 = tpu.memref_slice %arg4[%dma_wait3A_70, %dma_wait3A_71] : memref<1000000x64xf32, #tpu.memory_space<hbm>> -> memref<1000000x64xf32, #tpu.memory_space<hbm>>
    tpu.wait_indirect_dma semaphore(%arg14 : memref<!tpu.dma_semaphore, #tpu.memory_space<semaphore_mem>>) src(%dma_wait3A_72 : memref<1000000x64xf32, #tpu.memory_space<hbm>>) dst(%dma_wait3A_67 : memref<128x64xf32, #tpu.memory_space<vmem>>)
    %dma_wait3A_73 = arith.constant 0 : i32
    %dma_wait3A_74 = arith.constant 0 : i32
    %dma_wait3A_75 = tpu.memref_slice %arg11[%dma_wait3A_73, %dma_wait3A_74] : memref<512x64xf32, #tpu.memory_space<vmem>> -> memref<128x64xf32, #tpu.memory_space<vmem>>
    %dma_wait3A_76 = arith.constant 0 : i32
    %dma_wait3A_77 = tpu.memref_slice %arg9[%dma_wait3A_76] : memref<512xi32, #tpu.memory_space<vmem>> -> memref<128xi32, #tpu.memory_space<vmem>>
    %dma_wait3A_78 = arith.constant 0 : i32
    %dma_wait3A_79 = arith.constant 0 : i32
    %dma_wait3A_80 = tpu.memref_slice %arg5[%dma_wait3A_78, %dma_wait3A_79] : memref<1000000x64xf32, #tpu.memory_space<hbm>> -> memref<1000000x64xf32, #tpu.memory_space<hbm>>
    tpu.wait_indirect_dma semaphore(%arg14 : memref<!tpu.dma_semaphore, #tpu.memory_space<semaphore_mem>>) src(%dma_wait3A_80 : memref<1000000x64xf32, #tpu.memory_space<hbm>>) dst(%dma_wait3A_75 : memref<128x64xf32, #tpu.memory_space<vmem>>)
    %dma_wait3A_81 = arith.constant 128 : i32
    %dma_wait3A_82 = arith.constant 0 : i32
    %dma_wait3A_83 = tpu.memref_slice %arg10[%dma_wait3A_81, %dma_wait3A_82] : memref<512x64xf32, #tpu.memory_space<vmem>> -> memref<128x64xf32, #tpu.memory_space<vmem>>
    %dma_wait3A_84 = arith.constant 128 : i32
    %dma_wait3A_85 = tpu.memref_slice %arg8[%dma_wait3A_84] : memref<512xi32, #tpu.memory_space<vmem>> -> memref<128xi32, #tpu.memory_space<vmem>>
    %dma_wait3A_86 = arith.constant 0 : i32
    %dma_wait3A_87 = arith.constant 0 : i32
    %dma_wait3A_88 = tpu.memref_slice %arg4[%dma_wait3A_86, %dma_wait3A_87] : memref<1000000x64xf32, #tpu.memory_space<hbm>> -> memref<1000000x64xf32, #tpu.memory_space<hbm>>
    tpu.wait_indirect_dma semaphore(%arg14 : memref<!tpu.dma_semaphore, #tpu.memory_space<semaphore_mem>>) src(%dma_wait3A_88 : memref<1000000x64xf32, #tpu.memory_space<hbm>>) dst(%dma_wait3A_83 : memref<128x64xf32, #tpu.memory_space<vmem>>)
    %dma_wait3A_89 = arith.constant 128 : i32
    %dma_wait3A_90 = arith.constant 0 : i32
    %dma_wait3A_91 = tpu.memref_slice %arg11[%dma_wait3A_89, %dma_wait3A_90] : memref<512x64xf32, #tpu.memory_space<vmem>> -> memref<128x64xf32, #tpu.memory_space<vmem>>
    %dma_wait3A_92 = arith.constant 128 : i32
    %dma_wait3A_93 = tpu.memref_slice %arg9[%dma_wait3A_92] : memref<512xi32, #tpu.memory_space<vmem>> -> memref<128xi32, #tpu.memory_space<vmem>>
    %dma_wait3A_94 = arith.constant 0 : i32
    %dma_wait3A_95 = arith.constant 0 : i32
    %dma_wait3A_96 = tpu.memref_slice %arg5[%dma_wait3A_94, %dma_wait3A_95] : memref<1000000x64xf32, #tpu.memory_space<hbm>> -> memref<1000000x64xf32, #tpu.memory_space<hbm>>
    tpu.wait_indirect_dma semaphore(%arg14 : memref<!tpu.dma_semaphore, #tpu.memory_space<semaphore_mem>>) src(%dma_wait3A_96 : memref<1000000x64xf32, #tpu.memory_space<hbm>>) dst(%dma_wait3A_91 : memref<128x64xf32, #tpu.memory_space<vmem>>)
    %dma_wait3A_97 = arith.constant 256 : i32
    %dma_wait3A_98 = arith.constant 0 : i32
    %dma_wait3A_99 = tpu.memref_slice %arg10[%dma_wait3A_97, %dma_wait3A_98] : memref<512x64xf32, #tpu.memory_space<vmem>> -> memref<128x64xf32, #tpu.memory_space<vmem>>
    %dma_wait3A_100 = arith.constant 256 : i32
    %dma_wait3A_101 = tpu.memref_slice %arg8[%dma_wait3A_100] : memref<512xi32, #tpu.memory_space<vmem>> -> memref<128xi32, #tpu.memory_space<vmem>>
    %dma_wait3A_102 = arith.constant 0 : i32
    %dma_wait3A_103 = arith.constant 0 : i32
    %dma_wait3A_104 = tpu.memref_slice %arg4[%dma_wait3A_102, %dma_wait3A_103] : memref<1000000x64xf32, #tpu.memory_space<hbm>> -> memref<1000000x64xf32, #tpu.memory_space<hbm>>
    tpu.wait_indirect_dma semaphore(%arg14 : memref<!tpu.dma_semaphore, #tpu.memory_space<semaphore_mem>>) src(%dma_wait3A_104 : memref<1000000x64xf32, #tpu.memory_space<hbm>>) dst(%dma_wait3A_99 : memref<128x64xf32, #tpu.memory_space<vmem>>)
    %dma_wait3A_105 = arith.constant 256 : i32
    %dma_wait3A_106 = arith.constant 0 : i32
    %dma_wait3A_107 = tpu.memref_slice %arg11[%dma_wait3A_105, %dma_wait3A_106] : memref<512x64xf32, #tpu.memory_space<vmem>> -> memref<128x64xf32, #tpu.memory_space<vmem>>
    %dma_wait3A_108 = arith.constant 256 : i32
    %dma_wait3A_109 = tpu.memref_slice %arg9[%dma_wait3A_108] : memref<512xi32, #tpu.memory_space<vmem>> -> memref<128xi32, #tpu.memory_space<vmem>>
    %dma_wait3A_110 = arith.constant 0 : i32
    %dma_wait3A_111 = arith.constant 0 : i32
    %dma_wait3A_112 = tpu.memref_slice %arg5[%dma_wait3A_110, %dma_wait3A_111] : memref<1000000x64xf32, #tpu.memory_space<hbm>> -> memref<1000000x64xf32, #tpu.memory_space<hbm>>
    tpu.wait_indirect_dma semaphore(%arg14 : memref<!tpu.dma_semaphore, #tpu.memory_space<semaphore_mem>>) src(%dma_wait3A_112 : memref<1000000x64xf32, #tpu.memory_space<hbm>>) dst(%dma_wait3A_107 : memref<128x64xf32, #tpu.memory_space<vmem>>)
    %dma_wait3A_113 = arith.constant 384 : i32
    %dma_wait3A_114 = arith.constant 0 : i32
    %dma_wait3A_115 = tpu.memref_slice %arg10[%dma_wait3A_113, %dma_wait3A_114] : memref<512x64xf32, #tpu.memory_space<vmem>> -> memref<128x64xf32, #tpu.memory_space<vmem>>
    %dma_wait3A_116 = arith.constant 384 : i32
    %dma_wait3A_117 = tpu.memref_slice %arg8[%dma_wait3A_116] : memref<512xi32, #tpu.memory_space<vmem>> -> memref<128xi32, #tpu.memory_space<vmem>>
    %dma_wait3A_118 = arith.constant 0 : i32
    %dma_wait3A_119 = arith.constant 0 : i32
    %dma_wait3A_120 = tpu.memref_slice %arg4[%dma_wait3A_118, %dma_wait3A_119] : memref<1000000x64xf32, #tpu.memory_space<hbm>> -> memref<1000000x64xf32, #tpu.memory_space<hbm>>
    tpu.wait_indirect_dma semaphore(%arg14 : memref<!tpu.dma_semaphore, #tpu.memory_space<semaphore_mem>>) src(%dma_wait3A_120 : memref<1000000x64xf32, #tpu.memory_space<hbm>>) dst(%dma_wait3A_115 : memref<128x64xf32, #tpu.memory_space<vmem>>)
    %dma_wait3A_121 = arith.constant 384 : i32
    %dma_wait3A_122 = arith.constant 0 : i32
    %dma_wait3A_123 = tpu.memref_slice %arg11[%dma_wait3A_121, %dma_wait3A_122] : memref<512x64xf32, #tpu.memory_space<vmem>> -> memref<128x64xf32, #tpu.memory_space<vmem>>
    %dma_wait3A_124 = arith.constant 384 : i32
    %dma_wait3A_125 = tpu.memref_slice %arg9[%dma_wait3A_124] : memref<512xi32, #tpu.memory_space<vmem>> -> memref<128xi32, #tpu.memory_space<vmem>>
    %dma_wait3A_126 = arith.constant 0 : i32
    %dma_wait3A_127 = arith.constant 0 : i32
    %dma_wait3A_128 = tpu.memref_slice %arg5[%dma_wait3A_126, %dma_wait3A_127] : memref<1000000x64xf32, #tpu.memory_space<hbm>> -> memref<1000000x64xf32, #tpu.memory_space<hbm>>
    tpu.wait_indirect_dma semaphore(%arg14 : memref<!tpu.dma_semaphore, #tpu.memory_space<semaphore_mem>>) src(%dma_wait3A_128 : memref<1000000x64xf32, #tpu.memory_space<hbm>>) dst(%dma_wait3A_123 : memref<128x64xf32, #tpu.memory_space<vmem>>)
    %get3A = arith.constant 2048 : index
    %get3A_129 = tpu.vector_load %arg12[%get3A] {strides = array<i32>} : memref<2080xf32, #tpu.memory_space<vmem>>, vector<16xf32>,
    %get3A_130 = arith.constant 2064 : index
    %get3A_131 = tpu.vector_load %arg12[%get3A_130] {strides = array<i32>} : memref<2080xf32, #tpu.memory_space<vmem>>, vector<16xf32>,
    %iota3A = tpu.iota {dimensions = array<i32: 0>} : vector<16xi32>
    %scan3A = arith.constant 0 : i32
    %scan3A_132 = arith.constant 0 : i32
    %scan3A_133 = arith.constant 32 : i32
    %scan3A_134 = arith.addi %scan3A_132, %scan3A_133 : i32
    %scan3A_135 = arith.constant 1 : i32
    %scan3A_136 = scf.for %scan3A_138 = %scan3A_132 to %scan3A_134 step %scan3A_135 iter_args(%scan3A_139 = %scan3A) -> (i32)  : i32 {
      %mul3A_140 = arith.constant 16 : i32
      %mul3A_141 = arith.muli %scan3A_138, %mul3A_140 : i32
      %add3A_142 = vector.broadcast %mul3A_141 : i32 to vector<16xi32>
      %add3A_143 = arith.addi %add3A_142, %iota3A : vector<16xi32>
      %broadcast_in_dim3A = arith.constant 0.000000e+00 : f32
      %broadcast_in_dim3A_144 = vector.broadcast %broadcast_in_dim3A : f32 to vector<16xf32>
      %scan3A_145 = arith.constant 0 : i32
      %scan3A_146 = arith.constant 64 : i32
      %scan3A_147 = arith.addi %scan3A_145, %scan3A_146 : i32
      %scan3A_148 = arith.constant 1 : i32
      %scan3A_149:2 = scf.for %scan3A_158 = %scan3A_145 to %scan3A_147 step %scan3A_148 iter_args(%scan3A_159 = %broadcast_in_dim3A_144, %scan3A_160 = %broadcast_in_dim3A_144) -> (vector<16xf32>, vector<16xf32>)  : i32 {
        %broadcast_in_dim3A_161 = vector.broadcast %scan3A_158 : i32 to vector<16xi32>
        %gather3A = tpu.vector_load_idx %arg10[%add3A_143, %broadcast_in_dim3A_161] : memref<512x64xf32, #tpu.memory_space<vmem>>[vector<16xi32>, vector<16xi32>], vector<16xf32>,
        %gather3A_162 = tpu.vector_load_idx %arg11[%add3A_143, %broadcast_in_dim3A_161] : memref<512x64xf32, #tpu.memory_space<vmem>>[vector<16xi32>, vector<16xi32>], vector<16xf32>,
        %mul3A_163 = arith.constant 16 : i32
        %mul3A_164 = arith.muli %scan3A_158, %mul3A_163 : i32
        %get3A_165 = arith.index_cast %mul3A_164 : i32 to index
        %get3A_166 = tpu.vector_load %arg12[%get3A_165] {strides = array<i32>} : memref<2080xf32, #tpu.memory_space<vmem>>, vector<16xf32>,
        %mul3A_167 = arith.mulf %gather3A, %get3A_166 : vector<16xf32>
        %add3A_168 = arith.addf %scan3A_159, %mul3A_167 : vector<16xf32>
        %add3A_169 = arith.constant 64 : i32
        %add3A_170 = arith.addi %add3A_169, %scan3A_158 : i32
        %mul3A_171 = arith.constant 16 : i32
        %mul3A_172 = arith.muli %add3A_170, %mul3A_171 : i32
        %get3A_173 = arith.index_cast %mul3A_172 : i32 to index
        %get3A_174 = tpu.vector_load %arg12[%get3A_173] {strides = array<i32>} : memref<2080xf32, #tpu.memory_space<vmem>>, vector<16xf32>,
        %mul3A_175 = arith.mulf %gather3A_162, %get3A_174 : vector<16xf32>
        %add3A_176 = arith.addf %scan3A_160, %mul3A_175 : vector<16xf32>
        scf.yield %add3A_168, %add3A_176 : vector<16xf32>, vector<16xf32>
      }
      %scan3A_150 = arith.constant 64 : i32
      %add3A_151 = arith.addf %scan3A_149#0, %get3A_129 : vector<16xf32>
      %add3A_152 = arith.addf %scan3A_149#1, %get3A_131 : vector<16xf32>
      %mul3A_153 = arith.mulf %add3A_151, %add3A_152 : vector<16xf32>
      %mul3A_154 = arith.constant 16 : i32
      %mul3A_155 = arith.muli %scan3A_138, %mul3A_154 : i32
      %swap3A = arith.index_cast %mul3A_155 : i32 to index
      %swap3A_156 = tpu.vector_load %arg13[%swap3A] {strides = array<i32>} : memref<512xf32, #tpu.memory_space<vmem>>, vector<16xf32>,
      tpu.vector_store %arg13[%swap3A], %mul3A_153 {strides = array<i32>} : memref<512xf32, #tpu.memory_space<vmem>>, vector<16xf32>,
      %scan3A_157 = arith.constant 0 : i32
      scf.yield %scan3A_157 : i32
    }
    %scan3A_137 = arith.constant 32 : i32
    "tpu.region"() ({
      %run_scoped3A = tpu.sem_alloc : memref<!tpu.dma_semaphore, #tpu.memory_space<semaphore_mem>>
      %dma_start3A_138 = tpu.memref_slice %arg7[%mul3A_2] : memref<16384xf32, #tpu.memory_space<hbm>> -> memref<512xf32, #tpu.memory_space<hbm>>
      %dma_start3A_139 = tpu.memref_slice %arg7[%mul3A_2] : memref<16384xf32, #tpu.memory_space<hbm>> -> memref<512xf32, #tpu.memory_space<hbm>>
      tpu.enqueue_dma source(%arg13 : memref<512xf32, #tpu.memory_space<vmem>>) target(%dma_start3A_139 : memref<512xf32, #tpu.memory_space<hbm>>) target_semaphore(%run_scoped3A : memref<!tpu.dma_semaphore, #tpu.memory_space<semaphore_mem>>)
      %dma_wait3A_140 = tpu.memref_slice %arg7[%mul3A_2] : memref<16384xf32, #tpu.memory_space<hbm>> -> memref<512xf32, #tpu.memory_space<hbm>>
      %dma_wait3A_141 = tpu.memref_slice %arg7[%mul3A_2] : memref<16384xf32, #tpu.memory_space<hbm>> -> memref<512xf32, #tpu.memory_space<hbm>>
      tpu.wait_dma2 semaphore(%run_scoped3A : memref<!tpu.dma_semaphore, #tpu.memory_space<semaphore_mem>>) src(%arg13 : memref<512xf32, #tpu.memory_space<vmem>>) dst(%dma_wait3A_141 : memref<512xf32, #tpu.memory_space<hbm>>)
      tpu.yield
    }) : () -> ()
    return
  }
}

</mosaic_0001>

<sc_bundles>
// kernel: _gmf.3.cloned.1.call-start
scs
__scs_entry_jumppad:
0x0: {  	(pc) =	sbr.rel $0x88, $3  }
0x1: {  	(tag) =	ssettag $0x0;
	lr =	simm.s32 $0x1  }
0x2: {  	[smem:$0x3F9C] =	sst lr;
	_ =	strace $0xD0000000  }
0x3: {  	_ = 	snop  }
0x4: {  	_ = 	snop  }
0x5: {  	_ = 	snop  }
0x6: {  	_ = 	snop  }
0x7: {  	_ = 	snop  }
__scs_overlays_trampoline_lowered:
0x8: {  	[smem:$0x3FAB] =	sst s0  }
0x9: {  	[smem:$0x3FAC] =	sst s1  }
0xa: {  	[smem:$0x3FAD] =	sst s2  }
0xb: {  	[smem:$0x3FAE] =	sst s3  }
0xc: {  	[smem:$0x3FAF] =	sst s4  }
0xd: {  	[smem:$0x3FB0] =	sst s5  }
0xe: {  	[smem:$0x3FB1] =	sst s6  }
0xf: {  	[smem:$0x3FB2] =	sst s7  }
0x10: {  	[smem:$0x3FB3] =	sst s8  }
0x11: {  	[smem:$0x3FB4] =	sst s9;
	s0 =	simm.s32 @!p0 $0x0  }
0x12: {  	s1 =	sld [smem:$0x3F9A];
	s0 =	simm.s32 @p0 $0x1  }
0x13: {  	[smem:$0x3FB5] =	sst s0;
	s0 =	simm.s32 @!p1 $0x0  }
0x14: {  	s2 =	sld [smem:$0x3F99];
	s0 =	simm.s32 @p1 $0x1  }
0x15: {  	[smem:$0x3FB6] =	sst s0;
	s0 =	simm.s32 @!p2 $0x0  }
0x16: {  	s3 =	sld [smem:$0x3FDB];
	s0 =	simm.s32 @p2 $0x1  }
0x17: {  	s4 =	simm.s32 $0x1BF5;
	[smem:$0x3FB8] =	sst s0  }
0x18: {  	s0 =	sld [smem:$0x3F9B];
	_ =	swait.ge [sflag:s4], $0x0  }
0x19: {  	s7 =	sld [smem:$0x3F9C]  }
0x1a: {  	s8 =	sadd.s32 $0xFFFFE003, lr  }
0x1b: {  	s9 =	sadd.s32 $0xFFFFFEF7, lr;
	s5 =	simm.s32 $0xFFFFFFFF;
	p2 =	slt.u32 s8, $0xFFFFF086  }
0x1c: {  	p1 =	slt.u32 s9, $0xF7A;
	s5 =	simm.s32 @!p2 $0x0  }
0x1d: {  	s5 =	simm.s32 @p1 $0x1;
	p0 =	seq.s32 s7, s2  }
0x1e: {  	s7 =	smul.u32 @!p0 $0xF7A, s2;
	p2 =	seq.s32 @!p0 s5, $0x0  }
0x1f: {  	s9 =	smul.u32 $0xF7A, s1;
	s8 =	simm.s32 @!p0 $0x1BF5;
	p2 =	por !p2, p0  }
0x20: {  	[sflag:s8] =	ssyncset.s32 @!p0 $0xFFFFF086;
	s6 =	sadd.s32 @!p0 s3, s7;
	s7 =	simm.s32 @!p0 $0x108  }
0x21: {  	s3 =	sadd.s32 s3, s9;
	s6 =	sadd.s32 @!p0 $0x88, s6;
	s7 =	simm.s32 @p2 $0x1082  }
0x22: {  	[simem:s7], [sflag:s8] =	dma.local @!p0 [hbm:s6], $0xF7A  }
0x23: {  	s9 =	sor.u32 $0xD0000000, s2;
	s6 =	simm.s32 $0x108;
	_ =	swait.ge @!p0 [sflag:s8], $0x0  }
0x24: {  	s3 =	sadd.s32 $0x88, s3;
	s6 =	simm.s32 @!p1 $0x1082;
	[sflag:s4] =	ssyncset.s32 $0xFFFFF086  }
0x25: {  	[simem:s6], [sflag:s4] =	dma.local [hbm:s3], $0xF7A  }
0x26: {  	[smem:$0x3F9C] =	sst s1;
	(tag) =	ssettag s2;
	_ =	strace s9  }
0x27: {  	s1 =	sld [smem:$0x3FAC]  }
0x28: {  	s2 =	sld [smem:$0x3FAD]  }
0x29: {  	s4 =	sld [smem:$0x3FAF]  }
0x2a: {  	p0 =	seq.s32 s5, $0x0;
	s5 =	sld [smem:$0x3FB0]  }
0x2b: {  	s6 =	sld [smem:$0x3FB1]  }
0x2c: {  	s7 =	sld [smem:$0x3FB2]  }
0x2d: {  	s3 =	simm.s32 $0x108;
	s8 =	sld [smem:$0x3FB3]  }
0x2e: {  	s3 =	simm.s32 @!p0 $0x1082;
	s9 =	sld [smem:$0x3FB4]  }
0x2f: {  	lr =	sadd.s32 s0, s3;
	s0 =	sld [smem:$0x3FAB]  }
0x30: {  	s3 =	sld [smem:$0x3FAE]  }
0x31: {  	[smem:$0x3FB7] =	sst s10  }
0x32: {  	s10 =	sld [smem:$0x3FB5];
	_ =	sdelay $0x3  }
0x33: {  	p0 =	seq.s32 s10, $0x1;
	s10 =	sld [smem:$0x3FB7];
	_ =	sdelay $0x3  }
0x34: {  	[smem:$0x3FB7] =	sst s10  }
0x35: {  	s10 =	sld [smem:$0x3FB6];
	_ =	sdelay $0x3  }
0x36: {  	p1 =	seq.s32 s10, $0x1;
	s10 =	sld [smem:$0x3FB7];
	_ =	sdelay $0x3  }
0x37: {  	[smem:$0x3FB7] =	sst s10  }
0x38: {  	s10 =	sld [smem:$0x3FB8]  }
0x39: {  	_ = 	snop;
	(pc) =	sbr.ind lr, $3  }
0x3a: {  	_ = 	snop  }
0x3b: {  	_ = 	snop  }
0x3c: {  	p2 =	seq.s32 s10, $0x1;
	s10 =	sld [smem:$0x3FB7]  }
0x3d: {  	_ =	shalt  }
0x3e: {  	_ =	shalt  }
0x3f: {  	_ =	shalt  }
0x40: {  	_ =	shalt  }
0x41: {  	_ =	shalt  }
0x42: {  	_ =	shalt  }
0x43: {  	_ =	shalt  }
0x44: {  	_ =	shalt  }
0x45: {  	_ =	shalt  }
0x46: {  	_ =	shalt  }
0x47: {  	_ =	shalt  }
0x48: {  	_ =	shalt  }
0x49: {  	_ =	shalt  }
0x4a: {  	_ =	shalt  }
0x4b: {  	_ =	shalt  }
0x4c: {  	_ =	shalt  }
0x4d: {  	_ =	shalt  }
0x4e: {  	_ =	shalt  }
0x4f: {  	_ =	shalt  }
0x50: {  	_ =	shalt  }
0x51: {  	_ =	shalt  }
0x52: {  	_ =	shalt  }
0x53: {  	_ =	shalt  }
0x54: {  	_ =	shalt  }
0x55: {  	_ =	shalt  }
0x56: {  	_ =	shalt  }
0x57: {  	_ =	shalt  }
0x58: {  	_ =	shalt  }
0x59: {  	_ =	shalt  }
0x5a: {  	_ =	shalt  }
0x5b: {  	_ =	shalt  }
0x5c: {  	_ =	shalt  }
0x5d: {  	_ =	shalt  }
0x5e: {  	_ =	shalt  }
0x5f: {  	_ =	shalt  }
0x60: {  	_ =	shalt  }
0x61: {  	_ =	shalt  }
0x62: {  	_ =	shalt  }
0x63: {  	_ =	shalt  }
0x64: {  	_ =	shalt  }
0x65: {  	_ =	shalt  }
0x66: {  	_ =	shalt  }
0x67: {  	_ =	shalt  }
0x68: {  	_ =	shalt  }
0x69: {  	_ =	shalt  }
0x6a: {  	_ =	shalt  }
0x6b: {  	_ =	shalt  }
0x6c: {  	_ =	shalt  }
0x6d: {  	_ =	shalt  }
0x6e: {  	_ =	shalt  }
0x6f: {  	_ =	shalt  }
0x70: {  	_ =	shalt  }
0x71: {  	_ =	shalt  }
0x72: {  	_ =	shalt  }
0x73: {  	_ =	shalt  }
0x74: {  	_ =	shalt  }
0x75: {  	_ =	shalt  }
0x76: {  	_ =	shalt  }
0x77: {  	_ =	shalt  }
0x78: {  	_ =	shalt  }
0x79: {  	_ =	shalt  }
0x7a: {  	_ =	shalt  }
0x7b: {  	_ =	shalt  }
0x7c: {  	_ =	shalt  }
0x7d: {  	_ =	shalt  }
0x7e: {  	_ =	shalt  }
0x7f: {  	_ =	shalt  }
0x80: {  	_ =	shalt  }
0x81: {  	_ =	shalt  }
0x82: {  	_ =	shalt  }
0x83: {  	_ =	shalt  }
0x84: {  	_ =	shalt  }
0x85: {  	_ =	shalt  }
0x86: {  	_ =	shalt  }
0x87: {  	_ =	shalt  }
.Lfunc_end0:
.L_simem_size_0:
called_computation_lowered:
.L_overlay_start_0:
0x88: {  	s2 =	sld [smem:$0x3FD9]  }
0x89: {  	s3 =	sld [smem:$0x3FFE];
	_ =	sdelay $0x1  }
0x8a: {  	s1 =	srdreg.scid  }
0x8b: {  	s0 =	sand.u32 $0x1, s1  }
0x8c: {  	s17 =	sshll.u32 s0, $0xA;
	s2 =	sadd.s32 s3, s2  }
0x8d: {  	s2 =	sadd.s32 s2, s17  }
0x8e: {  	[smem:$0x3FC3] =	sst s2  }
0x8f: {  	_ = 	snop  }
0x90: {  	s2 =	sld [smem:$0x3FC9]  }
0x91: {  	s18 =	sld [smem:$0x3FC8]  }
0x92: {  	s4 =	sld [smem:$0x3FC5]  }
0x93: {  	s5 =	sld [smem:$0x3FD0];
	(tm) =	ssettm $0x1  }
0x94: {  	s6 =	sld [smem:$0x3FFB];
	_ =	sdelay $0x3  }
0x95: {  	_ =	strace s6  }
0x96: {  	s6 =	sld [smem:$0x3FFC];
	_ =	sdelay $0x3  }
0x97: {  	_ =	strace s6  }
0x98: {  	s6 =	sld [smem:$0x3FFD];
	_ =	sdelay $0x3  }
0x99: {  	_ =	strace s6  }
0x9a: {  	_ =	strace $0x8FFFFFFF  }
0x9b: {  	s19 =	sld [smem:$0x3FDB];
	_ =	sdelay $0x1  }
0x9c: {  	s7 =	simm.s32 $_scs_section_size  }
0x9d: {  	s8 =	simm.s32 $_size__tile_overlayer_lowered;
	s9 =	simm.s32 $_tile_overlayer_lowered  }
0x9e: {  	s22 =	simm.s32 $0x1BFF;
	s21 =	sshll.u32 s9, $0x1;
	s6 =	sadd.s32 s7, s19  }
0x9f: {  	s10 =	simm.s32 $0x0;
	s20 =	sshll.u32 s8, $0x1;
	s8 =	sadd.s32 s21, s6  }
0xa0: {  	[timem:s10], [sflag:s22] =	dma.local [hbm:s8], s20  }
0xa1: {  	_ =	swait.ge [sflag:s22], s20  }
0xa2: {  	s7 =	ssub.s32 $0x0, s20;
	[sflag:s22] =	ssyncset.done $0x0  }
0xa3: {  	[sflag:s22] =	ssyncadd.s32 s7;
	_ =	sdelay $0x1  }
0xa4: {  	s23 =	simm.s32 $0x1B8B  }
0xa5: {  	_ =	swait.ge [sflag:s23], $0x1  }
0xa6: {  	[sflag:s23] =	ssyncset.done $0x0  }
0xa7: {  	s25 =	simm.s32 $0x1B8E;
	s24 =	sld [smem:$0x3FFE];
	[sflag:s23] =	ssyncadd.s32 $0xFFFFFFFF  }
0xa8: {  	s26 =	simm.s32 $execute0_lowered;
	[smem:$0x3FD2] =	sst s25  }
0xa9: {  	s8 =	sshll.u32 s26, $0x1;
	_ =	strace $0x80000046;
	[dreg:$0x1] =	wrdreg $0xFFFFFFFF  }
0xaa: {  	s28 =	simm.s32 $_size_execute0_lowered;
	s6 =	sadd.s32 s6, s8;
	[dreg:$0x0] =	wrdreg $0x0  }
0xab: {  	s8 =	sshll.u32 s28, $0x1;
	[dreg:$0x2] =	wrdreg s6  }
0xac: {  	[dreg:$0x3] =	wrdreg s8  }
0xad: {  	[dreg:$0x4] =	wrdreg $0xC0  }
0xae: {  	_ =	task [dreg:s10], $0x5FFFF  }
0xaf: {  	[dreg:$0x1] =	wrdreg $0xFFFFFFFF  }
0xb0: {  	[dreg:$0x0] =	wrdreg $0x60  }
0xb1: {  	[dreg:$0x2] =	wrdreg s2  }
0xb2: {  	[dreg:$0x3] =	wrdreg s18  }
0xb3: {  	[dreg:$0x4] =	wrdreg s24  }
0xb4: {  	[dreg:$0x5] =	wrdreg s4  }
0xb5: {  	[dreg:$0x6] =	wrdreg s5  }
0xb6: {  	[dreg:$0x7] =	wrdreg $0x9  }
0xb7: {  	_ =	task.clear_ibuf [dreg:s10], $0x8FFFF;
	_ =	strace $0x90000046  }
0xb8: {  	s29 =	simm.s32 $0x9;
	_ =	strace $0x80000048  }
0xb9: {  	_ =	swait.ge [sflag:s29], $0x1  }
0xba: {  	[sflag:s29] =	ssyncadd.s32 $0xFFFFFFFF  }
0xbb: {  	_ =	strace $0x90000048  }
0xbc: {  	_ =	sfence  }
0xbd: {  	s30 =	sld [smem:$0x0];
	_ =	sdelay $0x2  }
0xbe: {  	s31 =	sshll.u32 s1, $0xD;
	s1 =	sshrl.u32 s1, $0x2  }
0xbf: {  	s3 =	sand.u32 $0x4000, s31;
	s1 =	sadd.s32 s1, s30  }
0xc0: {  	s0 =	sor.u32 s3, s0;
	s1 =	sshll.u32 s1, $0x11  }
0xc1: {  	s0 =	sor.u32 s1, s0  }
0xc2: {  	s0 =	sadd.s32 $0x8F2B, s0  }
0xc3: {  	[sflag:s0] =	ssyncadd.remote.s32 $0x1  }
0xc4: {  	_ =	sfence.sel $0xFFFF  }
0xc5: {  	[dreg:$0x0] =	wrdreg $0xFFFFFFFF;
	(pc) =	sbr.abs _section_cstart, $3  }
0xc6: {  	[dreg:$0x1] =	wrdreg $0xFFFFFFFF  }
0xc7: {  	_ =	task.clear_ibuf [dreg:s10], $0x2FFFF;
	_ =	strace $0x9FFFFFFF  }
0xc8: {  	(tm) =	ssettm $0x7FFFFFFF  }
0xc9: {  	_ =	shalt  }
tec
execute0_lowered:
.L_overlay_start_1:
0x0: {  	(tag) =	ssettag $0x1  }
0x1: {  	s0 =	rddreg [dreg:$0x0]  }
0x2: {  	s1 =	rddreg [dreg:$0x1]  }
0x3: {  	s3 =	rddreg [dreg:$0x2]  }
0x4: {  	s8 =	rddreg [dreg:$0x4];
	s2 =	simm.s32 $0x0;
	s4 =	srdreg.scid  }
0x5: {  	s9 =	stileid.u32;
	s11 =	simm.s32 $0x2;
	s12 =	simm.s32 $0x200  }
0x6: {  	s13 =	simm.s32 $0x80;
	s14 =	simm.s32 $0x400;
	s15 =	simm.s32 $0x8400  }
0x7: {  	s16 =	simm.s32 $0x2400;
	s17 =	simm.s32 $0x280;
	s18 =	simm.s32 $0xA400  }
0x8: {  	s19 =	simm.s32 $0x100;
	s20 =	simm.s32 $0x4400;
	s21 =	simm.s32 $0x300  }
0x9: {  	s22 =	simm.s32 $0xC400;
	s23 =	simm.s32 $0x180;
	s24 =	simm.s32 $0x6400  }
0xa: {  	s25 =	simm.s32 $0x380;
	s26 =	simm.s32 $0xE400;
	s28 =	simm.s32 $0x1  }
0xb: {  	s29 =	simm.s32 $0x10C20;
	s30 =	simm.s32 $0x0;
	[smem:$0x7FF] =	sst s2  }
0xc: {  	s5 =	sand.u32 $0x1, s4;
	s4 =	sadd.s32 $0xF42800, s3;
	s9 =	sshll.u32 s9, $0x7  }
0xd: {  	_ =	strace $0x80000047;
	s6 =	ssub.s32 $0x2, s5;
	s10 =	sshll.u32 s5, $0x6  }
0xe: {  	s5 =	sadd.s32 $0x16E3A00, s3;
	s7 =	sshrl.u32 s6, $0x1;
	s9 =	sor.u32 s10, s9  }
0xf: {  	v0 =	vlaneseq.u32;
	s10 =	simm.s32 $0x10400;
	s31 =	ssub.s32 s6, s7;
	s6 =	sadd.s32 s0, s9  }
0x10: {  	v0 =	vmul.u32 $0x40, v0;
	s7 =	sadd.s32 s1, s9;
	s8 =	sadd.s32 s8, s9;
	s9 =	smax.u32 s31, $0x1  }
.LBB2_1:
0x11: {  	s0 =	rddreg [dreg:$0x3]  }
0x12: {  	[tilespmem:s10], [sflag:$0x2] =	stream.linear.gather [hbm4b:s0+s2], $0x820, $0x38;
	[tilespmem:$0x10E20] =	vst v63  }
0x13: {  	_ =	swait.ge [sflag:s11], $0x820  }
0x14: {  	[sflag:s11] =	ssyncset.done $0x0  }
0x15: {  	[sflag:s11] =	ssyncadd.s32 $0xFFFFF7E0  }
0x16: {  	[tilespmem:s2], [sflag:$0x2] =	stream.linear.gather [hbm4b:s6+s2], $0x200, $0x38;
	[tilespmem:$0x10E20] =	vst v63  }
0x17: {  	_ =	swait.ge [sflag:s11], $0x200  }
0x18: {  	[sflag:s11] =	ssyncset.done $0x0  }
0x19: {  	[sflag:s11] =	ssyncadd.s32 $0xFFFFFE00  }
0x1a: {  	[tilespmem:s12], [sflag:$0x2] =	stream.linear.gather [hbm4b:s7+s2], $0x200, $0x38;
	[tilespmem:$0x10E20] =	vst v63  }
0x1b: {  	_ =	swait.ge [sflag:s11], $0x200  }
0x1c: {  	[sflag:s11] =	ssyncset.done $0x0  }
0x1d: {  	[sflag:s11] =	ssyncadd.s32 $0xFFFFFE00  }
0x1e: {  	[tilespmem:s14], [sflag:$0x1] =	stream.indirect.gather [hbm4b:s4+s13], $0x40, s2, s13, $0xb8;
	[tilespmem:$0x10E20] =	vst v63  }
0x1f: {  	_ = 	snop  }
0x20: {  	[tilespmem:s15], [sflag:$0x1] =	stream.indirect.gather [hbm4b:s5+s13], $0x40, s12, s13, $0xb8;
	[tilespmem:$0x10E20] =	vst v63  }
0x21: {  	_ = 	snop  }
0x22: {  	[tilespmem:s16], [sflag:$0x1] =	stream.indirect.gather [hbm4b:s4+s13], $0x40, s13, s13, $0xb8;
	[tilespmem:$0x10E20] =	vst v63  }
0x23: {  	_ = 	snop  }
0x24: {  	[tilespmem:s18], [sflag:$0x1] =	stream.indirect.gather [hbm4b:s5+s13], $0x40, s17, s13, $0xb8;
	[tilespmem:$0x10E20] =	vst v63  }
0x25: {  	_ = 	snop  }
0x26: {  	[tilespmem:s20], [sflag:$0x1] =	stream.indirect.gather [hbm4b:s4+s13], $0x40, s19, s13, $0xb8;
	[tilespmem:$0x10E20] =	vst v63  }
0x27: {  	_ = 	snop  }
0x28: {  	[tilespmem:s22], [sflag:$0x1] =	stream.indirect.gather [hbm4b:s5+s13], $0x40, s21, s13, $0xb8;
	[tilespmem:$0x10E20] =	vst v63  }
0x29: {  	_ = 	snop  }
0x2a: {  	[tilespmem:s24], [sflag:$0x1] =	stream.indirect.gather [hbm4b:s4+s13], $0x40, s23, s13, $0xb8;
	[tilespmem:$0x10E20] =	vst v63  }
0x2b: {  	_ = 	snop  }
0x2c: {  	[tilespmem:s26], [sflag:$0x1] =	stream.indirect.gather [hbm4b:s5+s13], $0x40, s25, s13, $0xb8;
	[tilespmem:$0x10E20] =	vst v63  }
0x2d: {  	_ =	swait.ge [sflag:s28], $0x2000  }
0x2e: {  	[sflag:s28] =	ssyncset.done $0x0  }
0x2f: {  	[sflag:s28] =	ssyncadd.s32 $0xFFFFE000  }
0x30: {  	_ =	swait.ge [sflag:s28], $0x2000  }
0x31: {  	[sflag:s28] =	ssyncset.done $0x0  }
0x32: {  	[sflag:s28] =	ssyncadd.s32 $0xFFFFE000  }
0x33: {  	_ =	swait.ge [sflag:s28], $0x2000  }
0x34: {  	[sflag:s28] =	ssyncset.done $0x0  }
0x35: {  	[sflag:s28] =	ssyncadd.s32 $0xFFFFE000  }
0x36: {  	_ =	swait.ge [sflag:s28], $0x2000  }
0x37: {  	[sflag:s28] =	ssyncset.done $0x0  }
0x38: {  	[sflag:s28] =	ssyncadd.s32 $0xFFFFE000  }
0x39: {  	_ =	swait.ge [sflag:s28], $0x2000  }
0x3a: {  	[sflag:s28] =	ssyncset.done $0x0  }
0x3b: {  	[sflag:s28] =	ssyncadd.s32 $0xFFFFE000  }
0x3c: {  	_ =	swait.ge [sflag:s28], $0x2000  }
0x3d: {  	[sflag:s28] =	ssyncset.done $0x0  }
0x3e: {  	[sflag:s28] =	ssyncadd.s32 $0xFFFFE000  }
0x3f: {  	_ =	swait.ge [sflag:s28], $0x2000  }
0x40: {  	[sflag:s28] =	ssyncset.done $0x0  }
0x41: {  	[sflag:s28] =	ssyncadd.s32 $0xFFFFE000  }
0x42: {  	_ =	swait.ge [sflag:s28], $0x2000  }
0x43: {  	[sflag:s28] =	ssyncset.done $0x0  }
0x44: {  	[sflag:s28] =	ssyncadd.s32 $0xFFFFE000  }
0x45: {  	v1 =	vld [tilespmem:$0x10C00]  }
0x46: {  	s31 =	simm.s32 $0x0;
	v2 =	vld [tilespmem:$0x10C10]  }
.LBB2_2:
0x47: {  	s1 =	simm.s32 $0x0  }
0x48: {  	s0 =	sshll.u32 s31, $0x4;
	v3 =	vmov s1  }
0x49: {  	v4 =	vmov s0;
	v3 =	vand.u32 $0x3F, v3  }
0x4a: {  	v4 =	vshll.u32 v4, $0x6;
	v5 =	vbroadcast v3, $0x0  }
0x4b: {  	s3 =	simm.s32 $0x1;
	v3 =	vor.u32 v0, v4  }
0x4c: {  	v4 =	vor.u32 v3, v5;
	v5 =	vmov s3  }
0x4d: {  	v5 =	vand.u32 $0x3F, v5  }
0x4e: {  	v5 =	vbroadcast v5, $0x0  }
0x4f: {  	s1 =	simm.s32 $0x10800  }
0x50: {  	v7 =	vor.u32 v3, v5;
	v5 =	vld [tilespmem:s1+$0x0]  }
0x51: {  	v6 =	vld.idx.msk [tilespmem:v4+s15+$0x0], $0xffff  }
0x52: {  	v11 =	vld [tilespmem:s1+$0xFFFFFC00];
	s3 =	simm.s32 $0x2  }
0x53: {  	v10 =	vld.idx.msk [tilespmem:v4+s14+$0x0], $0xffff;
	v4 =	vmov s3  }
0x54: {  	v4 =	vand.u32 $0x3F, v4  }
0x55: {  	v8 =	vbroadcast v4, $0x0  }
0x56: {  	s3 =	simm.s32 $0x10810;
	v4 =	vld.idx.msk [tilespmem:v7+s15+$0x0], $0xffff;
	v12 =	vmul.f32 v5, v6  }
0x57: {  	v9 =	vor.u32 v3, v8;
	v8 =	vld [tilespmem:s3+$0x0];
	v5 =	vimm.f32 $0.0e+00  }
0x58: {  	s1 =	simm.s32 $0x3;
	v6 =	vld.idx.msk [tilespmem:v7+s14+$0x0], $0xffff;
	v11 =	vmul.f32 v11, v10;
	v10 =	vmov v9;
	v7 =	vadd.f32 v12, v5  }
.LBB2_3:
0x59: {  	v12 =	vmov s1;
	p0 =	sne.s32 s1, $0x3F;
	s1 =	sadd.s32 $0x1, s1;
	v13 =	vld [tilespmem:s3+$0xFFFFFC00]  }
.Ltmp0:
0x5a: {  	v12 =	vand.u32 $0x3F, v12;
	v5 =	vadd.f32 v11, v5;
	(pc) =	sbr.rel @p0 .LBB2_3-.Ltmp0, $4  }
0x5b: {  	v11 =	vbroadcast v12, $0x0  }
0x5c: {  	s3 =	sadd.s32 $0x10, s3;
	v12 =	vmul.f32 v8, v4;
	v4 =	vld.idx.msk [tilespmem:v9+s15+$0x0], $0xffff  }
0x5d: {  	v9 =	vor.u32 v3, v11;
	v8 =	vld [tilespmem:s3+$0x0]  }
0x5e: {  	v11 =	vmul.f32 v13, v6;
	v6 =	vld.idx.msk [tilespmem:v10+s14+$0x0], $0xffff;
	v7 =	vadd.f32 v12, v7;
	v10 =	vmov v9  }
0x5f: {  	_ =	sdelay $0x2  }
0x60: {  	v3 =	vld [tilespmem:s3+$0xFFFFFC00]  }
0x61: {  	v9 =	vld.idx.msk [tilespmem:v9+s15+$0x0], $0xffff  }
0x62: {  	s1 =	sadd.s32 $0x10, s3;
	v10 =	vld.idx.msk [tilespmem:v10+s14+$0x0], $0xffff  }
0x63: {  	v12 =	vld [tilespmem:s1+$0x0]  }
0x64: {  	v13 =	vld [tilespmem:s1+$0xFFFFFC00];
	_ =	sdelay $0x1  }
0x65: {  	v4 =	vmul.f32 v8, v4  }
0x66: {  	v5 =	vadd.f32 v11, v5;
	v3 =	vmul.f32 v3, v6  }
0x67: {  	v4 =	vadd.f32 v4, v7  }
0x68: {  	v62 =	vmul.f32 v12, v9;
	v63 =	vmul.f32 v13, v10;
	v3 =	vadd.f32 v3, v5;
	_ =	sdelay $0x1  }
0x69: {  	s31 =	sadd.s32 $0x1, s31;
	v4 =	vadd.f32 v62, v4;
	v3 =	vadd.f32 v63, v3  }
0x6a: {  	p0 =	sne.s32 s31, $0x20  }
.Ltmp1:
0x6b: {  	v4 =	vadd.f32 v4, v2;
	v3 =	vadd.f32 v3, v1;
	(pc) =	sbr.rel @p0 .LBB2_2-.Ltmp1, $3  }
0x6c: {  	_ = 	snop  }
0x6d: {  	v3 =	vmul.f32 v4, v3;
	_ =	sdelay $0x1  }
0x6e: {  	[tilespmem:s0+$0x10C20] =	vst v3  }
0x6f: {  	s30 =	sadd.s32 $0x1, s30  }
0x70: {  	p0 =	sne.s32 s30, s9  }
.Ltmp2:
0x71: {  	_ = 	snop;
	(pc) =	sbr.rel @p0 .LBB2_1-.Ltmp2, $4  }
0x72: {  	[hbm4b:s8+s2] =	stream.linear.scatter [tilespmem:s29], [sflag:$0x2], $0x200, $0x38;
	[tilespmem:$0x10E20] =	vst v63  }
0x73: {  	_ =	swait.ge [sflag:s11], $0x200  }
0x74: {  	[sflag:s11] =	ssyncset.done $0x0  }
0x75: {  	[sflag:s11] =	ssyncadd.s32 $0xFFFFFE00  }
0x76: {  	_ =	sfence.sel $0x180000  }
0x77: {  	[bflag:$0x0] =	sbarrier.arrive $0xFFFF  }
0x78: {  	_ =	strace $0x90000047  }
0x79: {  	s0 =	stileid.u32;
	[bflag:$0x2] =	sbarrier.arrive $0xFFFF  }
0x7a: {  	p0 =	sne.s32 s0, $0x0;
	s0 =	rddreg [dreg:$0x5]  }
0x7b: {  	s0 =	sadd.s32 @!p0 $0x100000, s0  }
0x7c: {  	[sflag:s0] =	ssyncadd.tile.s32 @!p0 $0x1;
	_ =	shalt  }
.Lfunc_end2:
_tile_overlayer_lowered:
.L_overlay_start_2:
0x7d: {  	(tag) =	ssettag $0x2  }
0x7e: {  	s0 =	rddreg [dreg:$0x0];
	s2 =	stileid.u32  }
0x7f: {  	s1 =	rddreg [dreg:$0x1];
	p0 =	sne.s32 s2, $0x0  }
0x80: {  	s3 =	rddreg [dreg:$0x2];
	[bflag:$0x3] =	sbarrier.arrive $0xFFFF;
	s2 =	simm.s32 @!p0 $0x1C02  }
0x81: {  	[timem:s3], [sflag:s2] =	dma.local @!p0 [hbm:s0], s1  }
0x82: {  	s0 =	simm.s32 @!p0 $0x2  }
0x83: {  	_ =	swait.ge @!p0 [sflag:s0], s1  }
0x84: {  	s1 =	ssub.s32 @!p0 $0x0, s1;
	[sflag:s0] =	ssyncset.done @!p0 $0x0  }
0x85: {  	[sflag:s0] =	ssyncadd.s32 @!p0 s1  }
0x86: {  	[bflag:$0x3] =	sbarrier.arrive $0xFFFF  }
0x87: {  	_ =	shalt  }

</sc_bundles>
